<compile_context>
chip_gen: v7x
topology: tpu7x:2x2x1
jax: 0.10.2.dev20260603
libtpu: 0.0.44.dev20260713+nightly
codegen_flags: <defaults>
</compile_context>

<pallas_src>
import math

import jax
import jax.numpy as jnp
from jax.experimental import pallas as pl

NODE_DIM = 256
FT_DIM = 256
HIDDEN_DIM = 256
TIME_EMB_DIM = 128
T_STEPS = 8
TILE = 400
MAX_POS = 10000.0


def _fold_weights_kernel(atom_ref, w1_ref, w2_ref, b1_ref, b2_ref,
                         a2_ref, ct_ref, bc_ref):
    w1a = w1_ref[:, :NODE_DIM]
    w1f = w1_ref[:, NODE_DIM:]
    w2h = w2_ref[:, :HIDDEN_DIM]
    atom_p = jnp.concatenate(
        [atom_ref[...],
         jnp.zeros((128 - atom_ref.shape[0], NODE_DIM), jnp.float32)], axis=0)
    a1 = jax.lax.dot_general(atom_p, w1a, (((1,), (1,)), ((), ())),
                             preferred_element_type=jnp.float32)
    a2 = jax.lax.dot_general(a1, w2h, (((1,), (1,)), ((), ())),
                             preferred_element_type=jnp.float32)
    a2_ref[...] = a2.astype(jnp.bfloat16)
    ct_ref[...] = jnp.dot(w2h, w1f,
                          preferred_element_type=jnp.float32).astype(jnp.bfloat16)
    bc_ref[...] = jax.lax.dot_general(b1_ref[...], w2h,
                                      (((1,), (1,)), ((), ())),
                                      preferred_element_type=jnp.float32) + b2_ref[...]


def _main_kernel(h_ref, dt_ref, f_ref, w2_ref, a2_ref, ct_ref, bc_ref,
                 s_ref, out_ref):
    tile = f_ref.shape[0]
    hv = h_ref[:, 0]
    lane = jax.lax.broadcasted_iota(jnp.int32, (tile, 128), 1)
    onehot = (lane == hv[:, None]).astype(jnp.bfloat16)
    o = jnp.dot(onehot, a2_ref[...], preferred_element_type=jnp.float32)
    o += jax.lax.dot_general(f_ref[...].astype(jnp.bfloat16), ct_ref[...],
                             (((1,), (1,)), ((), ())),
                             preferred_element_type=jnp.float32)
    half = TIME_EMB_DIM // 2
    coef = -math.log(MAX_POS) / (half - 1)
    j = jax.lax.broadcasted_iota(jnp.int32, (tile, half), 1).astype(jnp.float32)
    freq = jnp.exp(j * coef)
    args = dt_ref[:, 0].astype(jnp.float32)[:, None] * freq
    temb = jnp.concatenate([jnp.sin(args), jnp.cos(args)], axis=1)
    w2t = w2_ref[:, HIDDEN_DIM:]
    o += jax.lax.dot_general(temb.astype(jnp.bfloat16),
                             w2t.astype(jnp.bfloat16),
                             (((1,), (1,)), ((), ())),
                             preferred_element_type=jnp.float32)
    o += bc_ref[...]
    out_ref[...] = jnp.dot(o.astype(jnp.bfloat16), s_ref[...],
                           preferred_element_type=jnp.float32)


@jax.jit
def kernel(diffusion_t, x, h, f, edge_index, edge_attr, batch, atom_emb,
           emb_lin_W, emb_lin_b, edge_emb_table, input_lin_W, input_lin_b,
           cond_emb_table):
    bn = f.shape[0]
    a2, ct, bc = pl.pallas_call(
        _fold_weights_kernel,
        out_shape=(
            jax.ShapeDtypeStruct((128, HIDDEN_DIM), jnp.bfloat16),
            jax.ShapeDtypeStruct((HIDDEN_DIM, FT_DIM), jnp.bfloat16),
            jax.ShapeDtypeStruct((1, HIDDEN_DIM), jnp.float32),
        ),
    )(atom_emb, emb_lin_W, input_lin_W, emb_lin_b.reshape(1, -1),
      input_lin_b.reshape(1, -1))

    s_mat = (jnp.arange(HIDDEN_DIM * T_STEPS)[None, :] // T_STEPS ==
             jnp.arange(HIDDEN_DIM)[:, None]).astype(jnp.bfloat16)

    grid = bn // TILE
    out_flat = pl.pallas_call(
        _main_kernel,
        grid=(grid,),
        in_specs=[
            pl.BlockSpec((TILE, 1), lambda g: (g, 0)),
            pl.BlockSpec((TILE, 1), lambda g: (g, 0)),
            pl.BlockSpec((TILE, FT_DIM), lambda g: (g, 0)),
            pl.BlockSpec((HIDDEN_DIM, NODE_DIM + TIME_EMB_DIM),
                         lambda g: (0, 0)),
            pl.BlockSpec((128, HIDDEN_DIM), lambda g: (0, 0)),
            pl.BlockSpec((HIDDEN_DIM, FT_DIM), lambda g: (0, 0)),
            pl.BlockSpec((1, HIDDEN_DIM), lambda g: (0, 0)),
            pl.BlockSpec((HIDDEN_DIM, HIDDEN_DIM * T_STEPS),
                         lambda g: (0, 0)),
        ],
        out_specs=pl.BlockSpec((TILE, HIDDEN_DIM * T_STEPS), lambda g: (g, 0)),
        out_shape=jax.ShapeDtypeStruct((bn, HIDDEN_DIM * T_STEPS),
                                       jnp.float32),
    )(h.reshape(bn, 1), diffusion_t.reshape(bn, 1).astype(jnp.int32),
      f, input_lin_W, a2, ct, bc, s_mat)

    return out_flat.reshape(bn, HIDDEN_DIM, T_STEPS)

# --- scband reference (transcript-rebuilt; emitter-appended) ---
"""Pipeline reference for scband-eginterpolator-simple-16312285790837 (READ-ONLY COPY).

The authoritative reference and input builder live on the scoring server;
editing this copy changes nothing except your own understanding.
"""

import jax, jax.numpy as jnp
import numpy as np
import math

BN = 10000
E = 320000
T = 8
NODE_DIM = 256
FT_DIM = 256
EDGE_DIM = 16
HIDDEN_DIM = 256
TIME_EMB_DIM = 128


def get_timestep_embedding(timesteps, embedding_dim, max_positions=10000):
    half_dim = embedding_dim // 2
    emb = math.log(max_positions) / (half_dim - 1)
    emb = jnp.exp(jnp.arange(half_dim, dtype=jnp.float32) * -emb)
    emb = timesteps.astype(jnp.float32)[:, None] * emb[None, :]
    emb = jnp.concatenate([jnp.sin(emb), jnp.cos(emb)], axis=-1)
    return emb


def setup_inputs(seed: int = 0) -> dict:
    key = jax.random.key(seed)
    ks = jax.random.split(key, 12)
    diffusion_t = jax.random.randint(ks[0], (BN,), 0, 1000, dtype=jnp.int64 if jax.config.jax_enable_x64 else jnp.int32)
    x = jax.random.normal(ks[1], (BN, 3, T), dtype=jnp.float32)
    h = jax.random.randint(ks[2], (BN,), 0, 100)
    f = jax.random.normal(ks[3], (BN, FT_DIM), dtype=jnp.float32)
    edge_index = jax.random.randint(ks[4], (2, E), 0, BN)
    edge_attr = jax.random.randint(ks[5], (E,), 0, 50)
    batch = jnp.sort(jax.random.randint(ks[6], (BN,), 0, 64))
    atom_emb = jax.random.normal(ks[7], (100, NODE_DIM), dtype=jnp.float32) * 0.02
    emb_lin_W = jax.random.normal(ks[8], (NODE_DIM, NODE_DIM + FT_DIM), dtype=jnp.float32) * 0.02
    emb_lin_b = jnp.zeros((NODE_DIM,), dtype=jnp.float32)
    edge_emb_table = jax.random.normal(ks[9], (50, EDGE_DIM), dtype=jnp.float32) * 0.02
    input_lin_W = jax.random.normal(ks[10], (HIDDEN_DIM, NODE_DIM + TIME_EMB_DIM), dtype=jnp.float32) * 0.02
    input_lin_b = jnp.zeros((HIDDEN_DIM,), dtype=jnp.float32)
    cond_emb_table = jax.random.normal(ks[11], (1, HIDDEN_DIM), dtype=jnp.float32) * 0.02
    return {
        'diffusion_t': diffusion_t, 'x': x, 'h': h, 'f': f,
        'edge_index': edge_index, 'edge_attr': edge_attr, 'batch': batch,
        'atom_emb': atom_emb, 'emb_lin_W': emb_lin_W, 'emb_lin_b': emb_lin_b,
        'edge_emb_table': edge_emb_table, 'input_lin_W': input_lin_W,
        'input_lin_b': input_lin_b, 'cond_emb_table': cond_emb_table,
    }


def reference(diffusion_t, x, h, f, edge_index, edge_attr, batch,
              atom_emb, emb_lin_W, emb_lin_b, edge_emb_table,
              input_lin_W, input_lin_b, cond_emb_table):
    # Embedding submodule: atom embedding gather + linear + edge embedding gather
    atom_embed = jnp.take(atom_emb, h, axis=0)                      # [BN, node_dim]
    h_feat = jnp.concatenate([atom_embed, f], axis=-1) @ emb_lin_W.T + emb_lin_b  # [BN, node_dim]
    e = jnp.take(edge_emb_table, edge_attr, axis=0)                 # [E, edge_dim]

    bn = x.shape[0]
    t = x.shape[-1]
    # conditioning='none' -> cond_mask all zeros, c=0, T==Tc; x unchanged by cond masking
    t_emb = get_timestep_embedding(diffusion_t, TIME_EMB_DIM)       # [BN, time_emb_dim]
    t_emb = jnp.repeat(t_emb[:, :, None], t, axis=-1)               # [BN, time_emb_dim, T]
    h_feat = jnp.repeat(h_feat[:, :, None], t, axis=-1)             # [BN, node_dim, T]
    h_cat = jnp.concatenate([h_feat, t_emb], axis=1)                # [BN, node_dim+time_emb_dim, T]
    # merge_time_dim -> linear -> separate_time_dim
    h_m = jnp.transpose(h_cat, (0, 2, 1)).reshape(bn * t, -1)
    h_m = h_m @ input_lin_W.T + input_lin_b
    h_out = jnp.transpose(h_m.reshape(bn, t, -1), (0, 2, 1))        # [BN, hidden, T]
    # cond embedding (computed in torch forward, unused for n_layers=0)
    cond_idx = jnp.zeros((bn, t), dtype=jnp.int32)
    _cond_emb = jnp.transpose(jnp.take(cond_emb_table, cond_idx, axis=0), (0, 2, 1))
    _e_t = jnp.repeat(e[:, :, None], t, axis=-1)
    # n_layers = 0 -> layer loop does not execute; output is the embedded node state
    return h_out


if False:  # reference __main__ guard neutralized (emitter)
    out = reference(**setup_inputs())
    print(out.shape)

if __name__ == "__main__":
    import jax
    _d = setup_inputs()
    print(jax.jit(kernel)(*tuple(_d.values())))

</pallas_src>

<mosaic_0001>
module attributes {stable_mosaic.version = 14 : i64} {
  func.func @_main_kernel(%arg0: i32, %arg1: memref<400x1xi32, #tpu.memory_space<vmem>>, %arg2: memref<400x1xi32, #tpu.memory_space<vmem>>, %arg3: memref<400x256xf32, #tpu.memory_space<vmem>>, %arg4: memref<256x384xf32, #tpu.memory_space<vmem>>, %arg5: memref<128x256xbf16, #tpu.memory_space<vmem>>, %arg6: memref<256x256xbf16, #tpu.memory_space<vmem>>, %arg7: memref<1x256xf32, #tpu.memory_space<vmem>>, %arg8: memref<256x2048xbf16, #tpu.memory_space<vmem>>, %arg9: memref<400x2048xf32, #tpu.memory_space<vmem>>) attributes {dimension_semantics = [#tpu.dimension_semantics<arbitrary>], iteration_bounds = array<i64: 25>, scalar_prefetch = 0 : i64, scratch_operands = 0 : i64, tpu.core_type = #tpu.core_type<tc>, window_params = [{transform_indices = @transform_0, window_bounds = array<i64: 400, 1>}, {transform_indices = @transform_1, window_bounds = array<i64: 400, 1>}, {transform_indices = @transform_2, window_bounds = array<i64: 400, 256>}, {pipeline_mode = #tpu.pipeline_mode<synchronous>, transform_indices = @transform_3, window_bounds = array<i64: 256, 384>}, {pipeline_mode = #tpu.pipeline_mode<synchronous>, transform_indices = @transform_4, window_bounds = array<i64: 128, 256>}, {pipeline_mode = #tpu.pipeline_mode<synchronous>, transform_indices = @transform_5, window_bounds = array<i64: 256, 256>}, {pipeline_mode = #tpu.pipeline_mode<synchronous>, transform_indices = @transform_6, window_bounds = array<i64: 1, 256>}, {pipeline_mode = #tpu.pipeline_mode<synchronous>, transform_indices = @transform_7, window_bounds = array<i64: 256, 2048>}, {transform_indices = @transform_8, window_bounds = array<i64: 400, 2048>}]} {
    %get3A = arith.constant 0 : index
    %get3A_0 = arith.constant 0 : index
    %get3A_1 = vector.load %arg1[%get3A, %get3A_0] : memref<400x1xi32, #tpu.memory_space<vmem>>, vector<400x1xi32>
    %get3A_2 = vector.shape_cast %get3A_1 : vector<400x1xi32> to vector<400xi32>
    %iota3A = tpu.iota {dimensions = array<i32: 1>} : vector<400x128xi32>
    %broadcast_in_dim3A = vector.shape_cast %get3A_2 : vector<400xi32> to vector<400x1xi32>
    %eq3A = vector.broadcast %broadcast_in_dim3A : vector<400x1xi32> to vector<400x128xi32>
    %eq3A_3 = arith.cmpi eq, %iota3A, %eq3A : vector<400x128xi32>
    %convert_element_type3A = arith.extui %eq3A_3 : vector<400x128xi1> to vector<400x128xi32>
    %convert_element_type3A_4 = arith.sitofp %convert_element_type3A : vector<400x128xi32> to vector<400x128xf32>
    %convert_element_type3A_5 = arith.truncf %convert_element_type3A_4 : vector<400x128xf32> to vector<400x128xbf16>
    %get3A_6 = arith.constant 0 : index
    %get3A_7 = arith.constant 0 : index
    %get3A_8 = vector.load %arg5[%get3A_6, %get3A_7] : memref<128x256xbf16, #tpu.memory_space<vmem>>, vector<128x256xbf16>
    %dot_general3A = arith.constant dense<0.000000e+00> : vector<400x256xf32>
    %dot_general3A_9 = tpu.matmul %convert_element_type3A_5, %get3A_8, %dot_general3A {dimension_numbers = #tpu.dot_dimension_numbers<[1], [0], [0], [1], [0, 0, 1, 1], [], []>, transpose_lhs_hint = false} : vector<400x128xbf16>, vector<128x256xbf16>, vector<400x256xf32> -> vector<400x256xf32>
    %get3A_10 = arith.constant 0 : index
    %get3A_11 = arith.constant 0 : index
    %get3A_12 = vector.load %arg3[%get3A_10, %get3A_11] : memref<400x256xf32, #tpu.memory_space<vmem>>, vector<400x256xf32>
    %convert_element_type3A_13 = arith.truncf %get3A_12 : vector<400x256xf32> to vector<400x256xbf16>
    %get3A_14 = arith.constant 0 : index
    %get3A_15 = arith.constant 0 : index
    %get3A_16 = vector.load %arg6[%get3A_14, %get3A_15] : memref<256x256xbf16, #tpu.memory_space<vmem>>, vector<256x256xbf16>
    %dot_general3A_17 = arith.constant dense<0.000000e+00> : vector<400x256xf32>
    %dot_general3A_18 = tpu.matmul %convert_element_type3A_13, %get3A_16, %dot_general3A_17 {dimension_numbers = #tpu.dot_dimension_numbers<[1], [1], [0], [0], [0, 0, 1, 0], [], []>, transpose_lhs_hint = false} : vector<400x256xbf16>, vector<256x256xbf16>, vector<400x256xf32> -> vector<400x256xf32>
    %add3A = arith.addf %dot_general3A_9, %dot_general3A_18 : vector<400x256xf32>
    %iota3A_19 = tpu.iota {dimensions = array<i32: 1>} : vector<400x64xi32>
    %convert_element_type3A_20 = arith.sitofp %iota3A_19 : vector<400x64xi32> to vector<400x64xf32>
    %mul3A = arith.constant -0.146195874 : f32
    %mul3A_21 = vector.broadcast %mul3A : f32 to vector<400x64xf32>
    %mul3A_22 = arith.mulf %convert_element_type3A_20, %mul3A_21 : vector<400x64xf32>
    %exp3A = math.exp %mul3A_22 : vector<400x64xf32>
    %get3A_23 = arith.constant 0 : index
    %get3A_24 = arith.constant 0 : index
    %get3A_25 = vector.load %arg2[%get3A_23, %get3A_24] : memref<400x1xi32, #tpu.memory_space<vmem>>, vector<400x1xi32>
    %get3A_26 = vector.shape_cast %get3A_25 : vector<400x1xi32> to vector<400xi32>
    %convert_element_type3A_27 = arith.sitofp %get3A_26 : vector<400xi32> to vector<400xf32>
    %broadcast_in_dim3A_28 = vector.shape_cast %convert_element_type3A_27 : vector<400xf32> to vector<400x1xf32>
    %mul3A_29 = vector.broadcast %broadcast_in_dim3A_28 : vector<400x1xf32> to vector<400x64xf32>
    %mul3A_30 = arith.mulf %mul3A_29, %exp3A : vector<400x64xf32>
    %sin3A = math.sin %mul3A_30 : vector<400x64xf32>
    %cos3A = math.cos %mul3A_30 : vector<400x64xf32>
    %concatenate3A = tpu.concatenate %sin3A, %cos3A in 1 : vector<400x64xf32>, vector<400x64xf32> -> vector<400x128xf32>
    %get3A_31 = arith.constant 0 : index
    %get3A_32 = arith.constant 256 : index
    %get3A_33 = vector.load %arg4[%get3A_31, %get3A_32] : memref<256x384xf32, #tpu.memory_space<vmem>>, vector<256x128xf32>
    %convert_element_type3A_34 = arith.truncf %concatenate3A : vector<400x128xf32> to vector<400x128xbf16>
    %convert_element_type3A_35 = arith.truncf %get3A_33 : vector<256x128xf32> to vector<256x128xbf16>
    %dot_general3A_36 = arith.constant dense<0.000000e+00> : vector<400x256xf32>
    %dot_general3A_37 = tpu.matmul %convert_element_type3A_34, %convert_element_type3A_35, %dot_general3A_36 {dimension_numbers = #tpu.dot_dimension_numbers<[1], [1], [0], [0], [0, 0, 1, 0], [], []>, transpose_lhs_hint = false} : vector<400x128xbf16>, vector<256x128xbf16>, vector<400x256xf32> -> vector<400x256xf32>
    %add3A_38 = arith.addf %add3A, %dot_general3A_37 : vector<400x256xf32>
    %get3A_39 = arith.constant 0 : index
    %get3A_40 = arith.constant 0 : index
    %get3A_41 = vector.load %arg7[%get3A_39, %get3A_40] : memref<1x256xf32, #tpu.memory_space<vmem>>, vector<1x256xf32>
    %add3A_42 = vector.broadcast %get3A_41 : vector<1x256xf32> to vector<400x256xf32>
    %add3A_43 = arith.addf %add3A_38, %add3A_42 : vector<400x256xf32>
    %convert_element_type3A_44 = arith.truncf %add3A_43 : vector<400x256xf32> to vector<400x256xbf16>
    %get3A_45 = arith.constant 0 : index
    %get3A_46 = arith.constant 0 : index
    %get3A_47 = vector.load %arg8[%get3A_45, %get3A_46] : memref<256x2048xbf16, #tpu.memory_space<vmem>>, vector<256x2048xbf16>
    %dot_general3A_48 = arith.constant dense<0.000000e+00> : vector<400x2048xf32>
    %dot_general3A_49 = tpu.matmul %convert_element_type3A_44, %get3A_47, %dot_general3A_48 {dimension_numbers = #tpu.dot_dimension_numbers<[1], [0], [0], [1], [0, 0, 1, 1], [], []>, transpose_lhs_hint = false} : vector<400x256xbf16>, vector<256x2048xbf16>, vector<400x2048xf32> -> vector<400x2048xf32>
    %swap3A = arith.constant 0 : index
    %swap3A_50 = arith.constant 0 : index
    %swap3A_51 = vector.load %arg9[%swap3A, %swap3A_50] : memref<400x2048xf32, #tpu.memory_space<vmem>>, vector<400x2048xf32>
    tpu.vector_store %arg9[%swap3A, %swap3A_50], %dot_general3A_49 {strides = array<i32>} : memref<400x2048xf32, #tpu.memory_space<vmem>>, vector<400x2048xf32>,
    return
  }
  func.func @transform_0(%arg0: i32) -> (i32, i32) {
    %c0_i32 = arith.constant 0 : i32
    %c0_i32_0 = arith.constant 0 : i32
    return %arg0, %c0_i32 : i32, i32
  }
  func.func @transform_1(%arg0: i32) -> (i32, i32) {
    %c0_i32 = arith.constant 0 : i32
    %c0_i32_0 = arith.constant 0 : i32
    return %arg0, %c0_i32 : i32, i32
  }
  func.func @transform_2(%arg0: i32) -> (i32, i32) {
    %c0_i32 = arith.constant 0 : i32
    %c0_i32_0 = arith.constant 0 : i32
    return %arg0, %c0_i32 : i32, i32
  }
  func.func @transform_3(%arg0: i32) -> (i32, i32) {
    %c0_i32 = arith.constant 0 : i32
    %c0_i32_0 = arith.constant 0 : i32
    %c0_i32_1 = arith.constant 0 : i32
    return %c0_i32, %c0_i32_0 : i32, i32
  }
  func.func @transform_4(%arg0: i32) -> (i32, i32) {
    %c0_i32 = arith.constant 0 : i32
    %c0_i32_0 = arith.constant 0 : i32
    %c0_i32_1 = arith.constant 0 : i32
    return %c0_i32, %c0_i32_0 : i32, i32
  }
  func.func @transform_5(%arg0: i32) -> (i32, i32) {
    %c0_i32 = arith.constant 0 : i32
    %c0_i32_0 = arith.constant 0 : i32
    %c0_i32_1 = arith.constant 0 : i32
    return %c0_i32, %c0_i32_0 : i32, i32
  }
  func.func @transform_6(%arg0: i32) -> (i32, i32) {
    %c0_i32 = arith.constant 0 : i32
    %c0_i32_0 = arith.constant 0 : i32
    %c0_i32_1 = arith.constant 0 : i32
    return %c0_i32, %c0_i32_0 : i32, i32
  }
  func.func @transform_7(%arg0: i32) -> (i32, i32) {
    %c0_i32 = arith.constant 0 : i32
    %c0_i32_0 = arith.constant 0 : i32
    %c0_i32_1 = arith.constant 0 : i32
    return %c0_i32, %c0_i32_0 : i32, i32
  }
  func.func @transform_8(%arg0: i32) -> (i32, i32) {
    %c0_i32 = arith.constant 0 : i32
    %c0_i32_0 = arith.constant 0 : i32
    return %arg0, %c0_i32 : i32, i32
  }
}

module attributes {stable_mosaic.version = 14 : i64} {
  func.func @_fold_weights_kernel(%arg0: memref<100x256xf32, #tpu.memory_space<vmem>>, %arg1: memref<256x512xf32, #tpu.memory_space<vmem>>, %arg2: memref<256x384xf32, #tpu.memory_space<vmem>>, %arg3: memref<1x256xf32, #tpu.memory_space<vmem>>, %arg4: memref<1x256xf32, #tpu.memory_space<vmem>>, %arg5: memref<128x256xbf16, #tpu.memory_space<vmem>>, %arg6: memref<256x256xbf16, #tpu.memory_space<vmem>>, %arg7: memref<1x256xf32, #tpu.memory_space<vmem>>) attributes {dimension_semantics = [], scalar_prefetch = 0 : i64, scratch_operands = 0 : i64, tpu.core_type = #tpu.core_type<tc>} {
    %get3A = arith.constant 0 : index
    %get3A_0 = arith.constant 0 : index
    %get3A_1 = vector.load %arg1[%get3A, %get3A_0] : memref<256x512xf32, #tpu.memory_space<vmem>>, vector<256x256xf32>
    %get3A_2 = arith.constant 0 : index
    %get3A_3 = arith.constant 256 : index
    %get3A_4 = vector.load %arg1[%get3A_2, %get3A_3] : memref<256x512xf32, #tpu.memory_space<vmem>>, vector<256x256xf32>
    %get3A_5 = arith.constant 0 : index
    %get3A_6 = arith.constant 0 : index
    %get3A_7 = vector.load %arg2[%get3A_5, %get3A_6] : memref<256x384xf32, #tpu.memory_space<vmem>>, vector<256x256xf32>
    %get3A_8 = arith.constant 0 : index
    %get3A_9 = arith.constant 0 : index
    %get3A_10 = vector.load %arg0[%get3A_8, %get3A_9] : memref<100x256xf32, #tpu.memory_space<vmem>>, vector<100x256xf32>
    %broadcast_in_dim3A = arith.constant 0.000000e+00 : f32
    %broadcast_in_dim3A_11 = vector.broadcast %broadcast_in_dim3A : f32 to vector<28x256xf32>
    %concatenate3A = tpu.concatenate %get3A_10, %broadcast_in_dim3A_11 in 0 : vector<100x256xf32>, vector<28x256xf32> -> vector<128x256xf32>
    %dot_general3A = arith.constant dense<0.000000e+00> : vector<128x256xf32>
    %dot_general3A_12 = tpu.matmul %concatenate3A, %get3A_1, %dot_general3A {dimension_numbers = #tpu.dot_dimension_numbers<[1], [1], [0], [0], [0, 0, 1, 0], [], []>, transpose_lhs_hint = false} : vector<128x256xf32>, vector<256x256xf32>, vector<128x256xf32> -> vector<128x256xf32>
    %dot_general3A_13 = arith.constant dense<0.000000e+00> : vector<128x256xf32>
    %dot_general3A_14 = tpu.matmul %dot_general3A_12, %get3A_7, %dot_general3A_13 {dimension_numbers = #tpu.dot_dimension_numbers<[1], [1], [0], [0], [0, 0, 1, 0], [], []>, transpose_lhs_hint = false} : vector<128x256xf32>, vector<256x256xf32>, vector<128x256xf32> -> vector<128x256xf32>
    %convert_element_type3A = arith.truncf %dot_general3A_14 : vector<128x256xf32> to vector<128x256xbf16>
    %swap3A = arith.constant 0 : index
    %swap3A_15 = arith.constant 0 : index
    %swap3A_16 = vector.load %arg5[%swap3A, %swap3A_15] : memref<128x256xbf16, #tpu.memory_space<vmem>>, vector<128x256xbf16>
    tpu.vector_store %arg5[%swap3A, %swap3A_15], %convert_element_type3A {strides = array<i32>} : memref<128x256xbf16, #tpu.memory_space<vmem>>, vector<128x256xbf16>,
    %dot_general3A_17 = arith.constant dense<0.000000e+00> : vector<256x256xf32>
    %dot_general3A_18 = tpu.matmul %get3A_7, %get3A_4, %dot_general3A_17 {dimension_numbers = #tpu.dot_dimension_numbers<[1], [0], [0], [1], [0, 0, 1, 1], [], []>, transpose_lhs_hint = false} : vector<256x256xf32>, vector<256x256xf32>, vector<256x256xf32> -> vector<256x256xf32>
    %convert_element_type3A_19 = arith.truncf %dot_general3A_18 : vector<256x256xf32> to vector<256x256xbf16>
    %swap3A_20 = arith.constant 0 : index
    %swap3A_21 = arith.constant 0 : index
    %swap3A_22 = vector.load %arg6[%swap3A_20, %swap3A_21] : memref<256x256xbf16, #tpu.memory_space<vmem>>, vector<256x256xbf16>
    tpu.vector_store %arg6[%swap3A_20, %swap3A_21], %convert_element_type3A_19 {strides = array<i32>} : memref<256x256xbf16, #tpu.memory_space<vmem>>, vector<256x256xbf16>,
    %get3A_23 = arith.constant 0 : index
    %get3A_24 = arith.constant 0 : index
    %get3A_25 = vector.load %arg3[%get3A_23, %get3A_24] : memref<1x256xf32, #tpu.memory_space<vmem>>, vector<1x256xf32>
    %dot_general3A_26 = arith.constant dense<0.000000e+00> : vector<1x256xf32>
    %dot_general3A_27 = tpu.matmul %get3A_25, %get3A_7, %dot_general3A_26 {dimension_numbers = #tpu.dot_dimension_numbers<[1], [1], [0], [0], [0, 0, 1, 0], [], []>, transpose_lhs_hint = false} : vector<1x256xf32>, vector<256x256xf32>, vector<1x256xf32> -> vector<1x256xf32>
    %get3A_28 = arith.constant 0 : index
    %get3A_29 = arith.constant 0 : index
    %get3A_30 = vector.load %arg4[%get3A_28, %get3A_29] : memref<1x256xf32, #tpu.memory_space<vmem>>, vector<1x256xf32>
    %add3A = arith.addf %dot_general3A_27, %get3A_30 : vector<1x256xf32>
    %swap3A_31 = arith.constant 0 : index
    %swap3A_32 = arith.constant 0 : index
    %swap3A_33 = vector.load %arg7[%swap3A_31, %swap3A_32] : memref<1x256xf32, #tpu.memory_space<vmem>>, vector<1x256xf32>
    tpu.vector_store %arg7[%swap3A_31, %swap3A_32], %add3A {strides = array<i32>} : memref<1x256xf32, #tpu.memory_space<vmem>>, vector<1x256xf32>,
    return
  }
}

</mosaic_0001>

<sc_bundles>
// kernel: sparse-core-data-format-call.cloned.1.call-start
scs
called_computation_lowered:
.L_overlay_start_0:
0x0: {  	s2 =	sld [smem:$0x3FD9]  }
0x1: {  	s3 =	sld [smem:$0x3FFE];
	_ =	sdelay $0x1  }
0x2: {  	s1 =	srdreg.scid  }
0x3: {  	s0 =	sand.u32 $0x1, s1  }
0x4: {  	s18 =	sshll.u32 s0, $0xA;
	s2 =	sadd.s32 s3, s2  }
0x5: {  	s2 =	sadd.s32 s2, s18  }
0x6: {  	[smem:$0x3FC0] =	sst s2  }
0x7: {  	_ = 	snop  }
0x8: {  	s2 =	sld [smem:$0x3FD0];
	(tm) =	ssettm $0x1  }
0x9: {  	s19 =	sld [smem:$0x3FFB];
	_ =	sdelay $0x3  }
0xa: {  	_ =	strace s19  }
0xb: {  	s3 =	sld [smem:$0x3FFC];
	_ =	sdelay $0x3  }
0xc: {  	_ =	strace s3  }
0xd: {  	s3 =	sld [smem:$0x3FFD];
	_ =	sdelay $0x3  }
0xe: {  	_ =	strace s3  }
0xf: {  	_ =	strace $0x8FFFFFFF  }
0x10: {  	s20 =	sld [smem:$0x3FDB];
	_ =	sdelay $0x1  }
0x11: {  	s4 =	simm.s32 $_scs_section_size  }
0x12: {  	s5 =	simm.s32 $_size__tile_overlayer_lowered;
	s6 =	simm.s32 $_tile_overlayer_lowered  }
0x13: {  	s23 =	simm.s32 $0x1BFF;
	s22 =	sshll.u32 s6, $0x1;
	s3 =	sadd.s32 s4, s20  }
0x14: {  	s7 =	simm.s32 $0x0;
	s21 =	sshll.u32 s5, $0x1;
	s5 =	sadd.s32 s22, s3  }
0x15: {  	[timem:s7], [sflag:s23] =	dma.local [hbm:s5], s21  }
0x16: {  	_ =	swait.ge [sflag:s23], s21  }
0x17: {  	s4 =	ssub.s32 $0x0, s21;
	[sflag:s23] =	ssyncset.done $0x0  }
0x18: {  	[sflag:s23] =	ssyncadd.s32 s4;
	_ =	sdelay $0x1  }
0x19: {  	s24 =	simm.s32 $0x1B8B  }
0x1a: {  	_ =	swait.ge [sflag:s24], $0x1  }
0x1b: {  	[sflag:s24] =	ssyncset.done $0x0  }
0x1c: {  	s26 =	simm.s32 $0x1B8E;
	s25 =	sld [smem:$0x3FFE];
	[sflag:s24] =	ssyncadd.s32 $0xFFFFFFFF  }
0x1d: {  	s27 =	simm.s32 $execute0_lowered;
	[smem:$0x3FD2] =	sst s26  }
0x1e: {  	s5 =	sshll.u32 s27, $0x1;
	_ =	strace $0x80000046;
	[dreg:$0x1] =	wrdreg $0xFFFFFFFF  }
0x1f: {  	s28 =	simm.s32 $_size_execute0_lowered;
	s3 =	sadd.s32 s3, s5;
	[dreg:$0x0] =	wrdreg $0x0  }
0x20: {  	s5 =	sshll.u32 s28, $0x1;
	[dreg:$0x2] =	wrdreg s3  }
0x21: {  	[dreg:$0x3] =	wrdreg s5  }
0x22: {  	[dreg:$0x4] =	wrdreg $0xC0  }
0x23: {  	_ =	task [dreg:s7], $0x5FFFF  }
0x24: {  	[dreg:$0x1] =	wrdreg $0xFFFFFFFF  }
0x25: {  	[dreg:$0x0] =	wrdreg $0x60  }
0x26: {  	[dreg:$0x2] =	wrdreg s25  }
0x27: {  	[dreg:$0x3] =	wrdreg s2  }
0x28: {  	[dreg:$0x4] =	wrdreg $0x9  }
0x29: {  	_ =	task.clear_ibuf [dreg:s7], $0x5FFFF;
	_ =	strace $0x90000046  }
0x2a: {  	s29 =	simm.s32 $0x9;
	_ =	strace $0x80000048  }
0x2b: {  	_ =	swait.ge [sflag:s29], $0x1  }
0x2c: {  	[sflag:s29] =	ssyncadd.s32 $0xFFFFFFFF  }
0x2d: {  	_ =	strace $0x90000048  }
0x2e: {  	_ =	sfence  }
0x2f: {  	s30 =	sld [smem:$0x0];
	_ =	sdelay $0x2  }
0x30: {  	s31 =	sshll.u32 s1, $0xD;
	s1 =	sshrl.u32 s1, $0x2  }
0x31: {  	s3 =	sand.u32 $0x4000, s31;
	s1 =	sadd.s32 s1, s30  }
0x32: {  	s0 =	sor.u32 s3, s0;
	s1 =	sshll.u32 s1, $0x11  }
0x33: {  	s0 =	sor.u32 s1, s0  }
0x34: {  	s0 =	sadd.s32 $0x8F2B, s0  }
0x35: {  	[sflag:s0] =	ssyncadd.remote.s32 $0x1  }
0x36: {  	_ =	sfence.sel $0xFFFF  }
0x37: {  	[dreg:$0x0] =	wrdreg $0xFFFFFFFF;
	(pc) =	sbr.abs _section_cstart, $3  }
0x38: {  	[dreg:$0x1] =	wrdreg $0xFFFFFFFF  }
0x39: {  	_ =	task.clear_ibuf [dreg:s7], $0x2FFFF;
	_ =	strace $0x9FFFFFFF  }
0x3a: {  	(tm) =	ssettm $0x7FFFFFFF  }
0x3b: {  	_ =	shalt  }
tec
execute0_lowered:
.L_overlay_start_1:
0x0: {  	(tag) =	ssettag $0x1  }
0x1: {  	s0 =	stileid.u32  }
0x2: {  	s2 =	srdreg.scid;
	s7 =	rddreg [dreg:$0x0]  }
0x3: {  	s4 =	rddreg [dreg:$0x1];
	s9 =	simm.s32 $0x2;
	s18 =	simm.s32 $0x0  }
0x4: {  	p0 =	por $0x0, $0x0;
	s10 =	simm.s32 $0x800;
	s20 =	simm.s32 $0x0  }
0x5: {  	s19 =	simm.s32 $0x0;
	s11 =	simm.s32 $0x0;
	s12 =	simm.s32 $0x0  }
0x6: {  	s13 =	simm.s32 $0x0;
	s17 =	simm.s32 $0x0;
	s1 =	sshll.u32 s0, $0x7  }
0x7: {  	s2 =	sshll.u32 s2, $0x7;
	s7 =	sadd.s32 $0x1200, s7;
	s1 =	sand.u32 $0x80, s1  }
0x8: {  	s3 =	sand.u32 $0x80, s2;
	s2 =	rddreg [dreg:$0x2];
	s31 =	ssub.s32 $0x100, s1  }
0x9: {  	s6 =	ssub.s32 $0x2700, s3;
	s5 =	sshrl.u32 s31, $0x7;
	s8 =	sshrl.u32 s31, $0x8  }
.Ltmp0:
0xa: {  	s6 =	sshrl.u32 s6, $0x8;
	s5 =	sand.u32 $0x1, s5;
	(pc) =	sbr.rel .LBB1_1-.Ltmp0, $4  }
0xb: {  	_ =	strace $0x80000047;
	s6 =	sadd.s32 $0x1, s6;
	s8 =	sadd.s32 s8, s5  }
0xc: {  	s14 =	smov.u32 s3;
	s5 =	simm.s32 $0x1;
	s6 =	smul.u32 s6, s8  }
0xd: {  	s16 =	smov.u32 s1;
	[sflag:s5] =	ssyncpa.u1 $0x0;
	s8 =	sshrl.u32 s0, $0x1  }
0xe: {  	[sflag:s9] =	ssyncpa.u1 $0x0;
	s15 =	smov.u32 s8;
	s9 =	sadd.s32 $0x1, s6  }
.LBB1_4:
0xf: {  	s25 =	sshra.s32 s25, $0x2  }
0x10: {  	p1 =	sgt.s32 s11, $0x2690;
	s26 =	sshra.s32 s11, $0x1F;
	s27 =	smov.u32 s12;
	v5 =	vld [tilespmem:s22+$0xFFFFFFD0]  }
0x11: {  	s29 =	sshra.s32 s12, $0x1F;
	v58 =	vld [tilespmem:s22+$0xFFFFFFE0];
	s24 =	sadd.s32 s25, s24;
	s25 =	smov.u32 s11  }
0x12: {  	v59 =	vld [tilespmem:s22+$0xFFFFFFF0];
	s26 =	sand.u32 s26, s11;
	s25 =	simm.s32 @!p1 $0x2690;
	p1 =	sgt.s32 s12, $0x7  }
0x13: {  	s28 =	smov.u32 s13;
	v60 =	vld [tilespmem:s22+$0x0];
	s25 =	ssub.s32 s25, s26;
	s27 =	simm.s32 @!p1 $0x7  }
0x14: {  	[tilespmem:s23+$0x2040 ss:$0x81] =	vst.msk $0xffff, v4;
	v61 =	vld [tilespmem:s22+$0x10];
	s26 =	sand.u32 s29, s12;
	p1 =	sgt.s32 s13, $0x80;
	s29 =	sshra.s32 s13, $0x1F  }
0x15: {  	[tilespmem:s23+$0x2850 ss:$0x81] =	vst.msk $0xffff, v3;
	v62 =	vld [tilespmem:s22+$0x20];
	s26 =	ssub.s32 s27, s26;
	s28 =	simm.s32 @!p1 $0x80;
	s30 =	sand.u32 s29, s13  }
0x16: {  	[tilespmem:s23+$0x3060 ss:$0x81] =	vst.msk $0xffff, v2;
	v63 =	vld [tilespmem:s22+$0xFFFFFFC0];
	s29 =	sand.u32 $0x78, s13;
	s22 =	ssub.s32 $0x2710, s25;
	s27 =	ssub.s32 s28, s30  }
0x17: {  	[tilespmem:s23+$0x0 ss:$0x81] =	vst.msk $0xffff, v0;
	s31 =	sadd.s32 $0xFFFFFFF9, s26;
	s23 =	ssub.s32 $0x8, s26;
	s30 =	sshll.u32 s13, $0x3  }
0x18: {  	[tilespmem:s24+$0x3870 ss:$0x81] =	vst.msk $0xffff, v1;
	p1 =	sgt.s32 s31, $0x0;
	s28 =	sadd.s32 $0xFFFFFF80, s27;
	s26 =	ssub.s32 $0x100, s27  }
0x19: {  	[tilespmem:s24+$0x810 ss:$0x81] =	vst.msk $0xffff, v5;
	s30 =	sand.u32 $0x400, s30;
	s23 =	simm.s32 @p1 $0x0;
	p1 =	sgt.s32 s28, $0x7F  }
0x1a: {  	[tilespmem:s24+$0x1020 ss:$0x81] =	vst.msk $0xffff, v58;
	s31 =	sadd.s32 $0xFFFFD970, s25;
	s27 =	sor.u32 s29, s30;
	s26 =	simm.s32 @p1 $0x0  }
0x1b: {  	[tilespmem:s24+$0x1830 ss:$0x81] =	vst.msk $0xffff, v59;
	p1 =	sgt.s32 s31, $0x7F;
	s31 =	sshll.u32 s12, $0x7;
	s23 =	smul.u32 s26, s23  }
0x1c: {  	[tilespmem:s24+$0x2040 ss:$0x81] =	vst.msk $0xffff, v60;
	s29 =	sshll.u32 s11, $0x8;
	s22 =	simm.s32 @p1 $0x0;
	s28 =	sand.u32 $0x380, s31  }
0x1d: {  	[tilespmem:s24+$0x2850 ss:$0x81] =	vst.msk $0xffff, v61;
	s30 =	sand.u32 $0x7, s13;
	s22 =	smul.u32 s22, s23;
	s23 =	sor.u32 s28, s27  }
0x1e: {  	[tilespmem:s24+$0x3060 ss:$0x81] =	vst.msk $0xffff, v62;
	s25 =	sshll.u32 s30, $0x12;
	s26 =	sadd.s32 s4, s29;
	s23 =	sshrl.u32 s23, $0x3  }
0x1f: {  	[tilespmem:s24+$0x0 ss:$0x81] =	vst.msk $0xffff, v63;
	s31 =	sor.u32 $0x80, s25;
	s22 =	sand.u32 $0x3FFFFFFF, s22;
	s23 =	sadd.s32 s23, s26  }
0x20: {  	[hbm4b:s23+s31] =	stream.strided.scatter [tilespmem:s21], [sflag:$0x2], s22, s10, s31, $0x20;
	[tilespmem:$0x10100] =	vst v63  }
.LBB1_5:
0x21: {  	p1 =	slt.u32 s17, $0x2;
	s22 =	smov.u32 s20  }
0x22: {  	p2 =	sgt.s32 @!p1 s18, $0x2690;
	s21 =	sshra.s32 @!p1 s18, $0x1F;
	p3 =	sgt.s32 @!p1 s20, $0x7  }
0x23: {  	s23 =	sshra.s32 @!p1 s20, $0x1F;
	p2 =	por !p2, p1;
	s21 =	sand.u32 @!p1 s21, s18  }
0x24: {  	p3 =	por !p3, p1;
	s20 =	sand.u32 @!p1 s23, s20;
	s23 =	sshra.s32 @!p1 s19, $0x1F  }
0x25: {  	s22 =	simm.s32 @p3 $0x7;
	p3 =	sgt.s32 @!p1 s19, $0x80;
	s18 =	simm.s32 @p2 $0x2690  }
0x26: {  	s20 =	ssub.s32 @!p1 s22, s20;
	p3 =	por !p3, p1;
	s22 =	smov.u32 s19  }
0x27: {  	s19 =	sand.u32 @!p1 s23, s19;
	s18 =	ssub.s32 @!p1 s18, s21;
	s22 =	simm.s32 @p3 $0x80  }
0x28: {  	s21 =	sadd.s32 @!p1 $0xFFFFFFF9, s20;
	s20 =	ssub.s32 @!p1 $0x8, s20;
	s19 =	ssub.s32 @!p1 s22, s19  }
0x29: {  	s22 =	sadd.s32 @!p1 $0xFFFFD970, s18;
	p2 =	sgt.s32 @!p1 s21, $0x0;
	s21 =	sadd.s32 @!p1 $0xFFFFFF80, s19  }
0x2a: {  	s18 =	ssub.s32 @!p1 $0x2710, s18;
	p2 =	por !p2, p1;
	p3 =	sgt.s32 @!p1 s21, $0x7F  }
0x2b: {  	s19 =	ssub.s32 @!p1 $0x100, s19;
	s20 =	simm.s32 @!p2 $0x0;
	p2 =	por !p3, p1  }
0x2c: {  	s21 =	sadd.s32 $0x100, s14;
	p3 =	sgt.s32 @!p1 s22, $0x7F;
	s19 =	simm.s32 @!p2 $0x0  }
0x2d: {  	s22 =	smov.u32 s15;
	p2 =	por !p3, p1;
	s19 =	smul.u32 @!p1 s19, s20  }
0x2e: {  	s18 =	simm.s32 @!p2 $0x0;
	p2 =	sgt.s32 s21, $0x270F;
	s20 =	sadd.s32 $0x8, s15  }
0x2f: {  	s23 =	smov.u32 s16;
	s22 =	smov.u32 @p2 s20  }
0x30: {  	s18 =	smul.u32 @!p1 s18, s19;
	p3 =	sgt.s32 s22, $0x7;
	s19 =	sadd.s32 $0x100, s16  }
0x31: {  	p0 =	por !p0, !p0;
	s24 =	simm.s32 @!p1 $0x2;
	s23 =	smov.u32 @p3 s19  }
0x32: {  	s21 =	smov.u32 @p2 s3;
	s20 =	smov.u32 s12;
	p2 =	sgt.s32 s23, $0xFF  }
0x33: {  	s12 =	smov.u32 s15;
	s23 =	smov.u32 @p2 s1;
	p2 =	sne.s32 s17, s9  }
.Ltmp1:
0x34: {  	s22 =	smov.u32 @p3 s8;
	s19 =	smov.u32 s13;
	(pc) =	sbr.rel @!p2 .LBB1_6-.Ltmp1, $4  }
0x35: {  	s13 =	smov.u32 s16;
	s18 =	sand.u32 @!p1 $0x3FFFFFFF, s18;
	s15 =	smov.u32 s22  }
0x36: {  	_ =	swait.ge @!p1 [sflag:s24], s18;
	s25 =	ssub.s32 @!p1 $0x0, s18;
	s18 =	smov.u32 s11  }
0x37: {  	s17 =	sadd.s32 $0x1, s17;
	s11 =	smov.u32 s14;
	[sflag:s24] =	ssyncset.done @!p1 $0x0  }
0x38: {  	s14 =	smov.u32 s21;
	s16 =	smov.u32 s23;
	[sflag:s24] =	ssyncadd.s32 @!p1 s25  }
.LBB1_1:
0x39: {  	p1 =	sge.u32 s17, s6  }
0x3a: {  	s21 =	sshrl.u32 @!p1 s15, $0x3  }
0x3b: {  	s22 =	sshll.u32 @!p1 s14, $0x3;
	s21 =	smul.u32 @!p1 $0x13C00, s21  }
0x3c: {  	s23 =	sshll.u32 @!p1 s15, $0x7;
	s22 =	sand.u32 @!p1 $0xFFFFFC00, s22  }
0x3d: {  	s21 =	sadd.s32 @!p1 s21, s22;
	s22 =	sand.u32 @!p1 $0x380, s23  }
0x3e: {  	s23 =	sand.u32 @!p1 $0x7F, s14;
	s21 =	sor.u32 @!p1 s22, s21  }
0x3f: {  	s22 =	sor.u32 @!p1 s23, s21  }
0x40: {  	s23 =	smulhi.u32 @!p1 $0xCF6474A9, s22  }
0x41: {  	s21 =	smulhi.u32 @!p1 $0xCF6474A9, s21  }
0x42: {  	s23 =	sshrl.u32 @!p1 s23, $0xD  }
0x43: {  	s31 =	sadd.s32 $0xFFFFFFFF, s17;
	s21 =	sshrl.u32 @!p1 s21, $0xD;
	s23 =	smul.u32 @!p1 $0x2780, s23  }
0x44: {  	s24 =	sxor.u32 @!p1 $0xFFFFFFFF, s17;
	s25 =	smul.u32 @!p1 $0x2780, s16;
	s21 =	sand.u32 @!p1 $0x7, s21  }
0x45: {  	s24 =	sshll.u32 @!p1 s24, $0xE;
	s21 =	smul.u32 @!p1 $0x4F0, s21;
	s22 =	ssub.s32 @!p1 s22, s23  }
0x46: {  	s23 =	sand.u32 @!p1 $0x4000, s24;
	s24 =	sadd.s32 @!p1 s7, s25;
	s25 =	sand.u32 @!p1 $0x7, s22  }
0x47: {  	s22 =	sshrl.u32 @!p1 s22, $0x3;
	s21 =	sadd.s32 @!p1 s21, s24;
	s24 =	sshll.u32 @!p1 s25, $0x12  }
0x48: {  	s21 =	sadd.s32 @!p1 s22, s21;
	s22 =	sor.u32 @!p1 $0x80, s24;
	s24 =	simm.s32 @!p1 $0x13C00  }
0x49: {  	[tilespmem:s23], [sflag:$0x1] =	stream.strided.gather @!p1 [hbm4b:s21+s22], $0x4000, s24, s22, $0x38;
	[tilespmem:$0x10100] =	vst v63  }
0x4a: {  	p1 =	sge.u32 s31, s6  }
.Ltmp2:
0x4b: {  	_ = 	snop;
	(pc) =	sbr.rel @p1 .LBB1_5-.Ltmp2, $1  }
0x4c: {  	_ =	sdelay $0x3  }
0x4d: {  	s21 =	simm.s32 $0x1  }
0x4e: {  	_ =	swait.ge [sflag:s5], $0x4000;
	s21 =	simm.s32 @!p0 $0x0  }
0x4f: {  	[sflag:s5] =	ssyncset.done $0x0;
	s22 =	sshll.u32 s21, $0xE  }
0x50: {  	[sflag:s5] =	ssyncadd.s32 $0xFFFFC000;
	s22 =	sor.u32 $0x40, s22  }
0x51: {  	s21 =	smul.u32 $0x10200, s21;
	v0 =	vld [tilespmem:s22+$0x30]  }
0x52: {  	v1 =	vld [tilespmem:s22+$0xFFFFFFD0]  }
0x53: {  	s21 =	sshrl.u32 s21, $0x2;
	v5 =	vld [tilespmem:s22+$0xFFFFFFE0]  }
0x54: {  	v6 =	vld [tilespmem:s22+$0xFFFFFFF0];
	s24 =	sor.u32 $0x8000, s21  }
0x55: {  	s31 =	sand.u32 $0x1, s17;
	v4 =	vld [tilespmem:s22+$0x0];
	s23 =	sadd.s32 $0x0, s24  }
0x56: {  	v3 =	vld [tilespmem:s22+$0x10];
	s21 =	smul.u32 $0x10200, s31;
	[tilespmem:s23+$0x3870 ss:$0x81] =	vst.msk $0xffff, v0  }
0x57: {  	v2 =	vld [tilespmem:s22+$0x20];
	[tilespmem:s23+$0x810 ss:$0x81] =	vst.msk $0xffff, v1  }
0x58: {  	s21 =	sshrl.u32 s21, $0x2;
	v0 =	vld [tilespmem:s22+$0xFFFFFFC0];
	[tilespmem:s23+$0x1020 ss:$0x81] =	vst.msk $0xffff, v5;
	s22 =	sadd.s32 $0x80, s22  }
0x59: {  	s25 =	simm.s32 $0x4;
	s26 =	simm.s32 $0x8;
	s21 =	sor.u32 $0x8000, s21;
	[tilespmem:s23+$0x1830 ss:$0x81] =	vst.msk $0xffff, v6;
	v1 =	vld [tilespmem:s22+$0x30]  }
.LBB1_3:
0x5a: {  	p1 =	sne.s32 s26, $0x1FC;
	v5 =	vld [tilespmem:s22+$0xFFFFFFD0];
	[tilespmem:s23+$0x2040 ss:$0x81] =	vst.msk $0xffff, v4  }
0x5b: {  	v6 =	vld [tilespmem:s22+$0xFFFFFFE0];
	[tilespmem:s23+$0x2850 ss:$0x81] =	vst.msk $0xffff, v3  }
0x5c: {  	s27 =	sshra.s32 s25, $0x2;
	s25 =	smov.u32 s26;
	v7 =	vld [tilespmem:s22+$0xFFFFFFF0];
	[tilespmem:s23+$0x3060 ss:$0x81] =	vst.msk $0xffff, v2  }
.Ltmp3:
0x5d: {  	v4 =	vld [tilespmem:s22+$0x0];
	[tilespmem:s23+$0x0 ss:$0x81] =	vst.msk $0xffff, v0;
	s23 =	sadd.s32 s27, s24;
	(pc) =	sbr.rel @p1 .LBB1_3-.Ltmp3, $4  }
0x5e: {  	v3 =	vld [tilespmem:s22+$0x10];
	[tilespmem:s23+$0x3870 ss:$0x81] =	vst.msk $0xffff, v1  }
0x5f: {  	[tilespmem:s23+$0x810 ss:$0x81] =	vst.msk $0xffff, v5;
	v2 =	vld [tilespmem:s22+$0x20]  }
0x60: {  	v0 =	vld [tilespmem:s22+$0xFFFFFFC0];
	[tilespmem:s23+$0x1020 ss:$0x81] =	vst.msk $0xffff, v6;
	s22 =	sadd.s32 $0x80, s22  }
0x61: {  	s26 =	sadd.s32 $0x4, s26;
	v1 =	vld [tilespmem:s22+$0x30];
	[tilespmem:s23+$0x1830 ss:$0x81] =	vst.msk $0xffff, v7  }
.Ltmp4:
0x62: {  	_ = 	snop;
	(pc) =	sbr.rel .LBB1_4-.Ltmp4, $1  }
0x63: {  	_ =	sdelay $0x3  }
.LBB1_6:
0x64: {  	_ =	sfence.sel $0x180000  }
0x65: {  	s1 =	simm.s32 $0x1;
	[bflag:$0x0] =	sbarrier.arrive $0xFFFF  }
0x66: {  	s31 =	simm.s32 $0x2;
	[sflag:s1] =	ssyncpa.u1 $0x1  }
0x67: {  	[sflag:s31] =	ssyncpa.u1 $0x1  }
0x68: {  	p0 =	sne.s32 s0, $0x0;
	_ =	strace $0x90000047  }
0x69: {  	s0 =	sadd.s32 @!p0 $0x100000, s2;
	[bflag:$0x2] =	sbarrier.arrive $0xFFFF  }
0x6a: {  	[sflag:s0] =	ssyncadd.tile.s32 @!p0 $0x1;
	_ =	shalt  }
.Lfunc_end1:
_tile_overlayer_lowered:
.L_overlay_start_2:
0x6b: {  	(tag) =	ssettag $0x2  }
0x6c: {  	s0 =	rddreg [dreg:$0x0];
	s2 =	stileid.u32  }
0x6d: {  	s1 =	rddreg [dreg:$0x1];
	p0 =	sne.s32 s2, $0x0  }
0x6e: {  	s3 =	rddreg [dreg:$0x2];
	[bflag:$0x3] =	sbarrier.arrive $0xFFFF;
	s2 =	simm.s32 @!p0 $0x1C01  }
0x6f: {  	[timem:s3], [sflag:s2] =	dma.local @!p0 [hbm:s0], s1  }
0x70: {  	s0 =	simm.s32 @!p0 $0x1  }
0x71: {  	_ =	swait.ge @!p0 [sflag:s0], s1  }
0x72: {  	s1 =	ssub.s32 @!p0 $0x0, s1;
	[sflag:s0] =	ssyncset.done @!p0 $0x0  }
0x73: {  	[sflag:s0] =	ssyncadd.s32 @!p0 s1  }
0x74: {  	[bflag:$0x3] =	sbarrier.arrive $0xFFFF  }
0x75: {  	_ =	shalt  }

</sc_bundles>
